<compile_context>
chip_gen: v7x
topology: tpu7x:2x2x1
jax: 0.10.2.dev20260603
libtpu: 0.0.44.dev20260713+nightly
codegen_flags: <defaults>
</compile_context>

<pallas_src>
import functools

import jax
import jax.numpy as jnp
import numpy as np
from jax import lax
from jax.experimental import pallas as pl
from jax.experimental.pallas import tpu as pltpu
from jax.experimental.pallas import tpu_sc as plsc

_N, _D, _AH, _CH, _A = 10000, 128, 256, 256, 100000
_BA = 3136
_NBLK = -(-_A // _BA)
_NS = 4
_NSTEPS = _NBLK // _NS
_BA2 = _NS * _BA



def _np_threefry2x32(k1, k2, x0, x1):
    rot = (np.uint32(13), np.uint32(15), np.uint32(26), np.uint32(6),
           np.uint32(17), np.uint32(29), np.uint32(16), np.uint32(24))

    def rotl(x, d):
        return (x << d) | (x >> np.uint32(32 - int(d)))

    ks = [np.uint32(k1), np.uint32(k2),
          np.uint32(k1) ^ np.uint32(k2) ^ np.uint32(0x1BD11BDA)]
    x0 = x0 + ks[0]
    x1 = x1 + ks[1]
    for i in range(5):
        rots = rot[:4] if i % 2 == 0 else rot[4:]
        for r in rots:
            x0 = x0 + x1
            x1 = rotl(x1, r)
            x1 = x0 ^ x1
        x0 = x0 + ks[(i + 1) % 3]
        x1 = x1 + ks[(i + 2) % 3] + np.uint32(i + 1)
    return x0, x1


def _np_gumbel(seed, n):
    k1, k2 = np.uint32(seed >> 32), np.uint32(seed & 0xFFFFFFFF)
    iota = np.arange(n, dtype=np.uint64)
    c1 = (iota >> np.uint64(32)).astype(np.uint32)
    c2 = (iota & np.uint64(0xFFFFFFFF)).astype(np.uint32)
    b1, b2 = _np_threefry2x32(k1, k2, c1, c2)
    bits = b1 ^ b2
    float_bits = (bits >> np.uint32(9)) | np.uint32(0x3F800000)
    floats = float_bits.view(np.float32) - np.float32(1.0)
    tiny = np.float32(np.finfo(np.float32).tiny)
    u = np.maximum(tiny, floats * (np.float32(1.0) - tiny) + tiny)
    with np.errstate(divide="ignore"):
        return -np.log(-np.log(u))


_G_NODE = _np_gumbel(42, _N).reshape(_N, 1)
_G_XFER = _np_gumbel(43, _A).reshape(1, _A)


_IOTA_N = np.arange(_N, dtype=np.int32).reshape(_N, 1)
_IOTA_BA = np.arange(_BA2, dtype=np.int32).reshape(1, _BA2)


def _critic_body(ge, g42, v1, c1, v2r, c2, score_o):
    h = jnp.maximum(
        jnp.dot(ge[...], v1[...], preferred_element_type=jnp.float32) + c1[...], 0.0)
    vs = jnp.sum(h * v2r[...], axis=1, keepdims=True) + c2[...]
    score_o[...] = vs + g42[...]


def _node_sample_sc(score_hbm, node_hbm, score_v, node_v, vm_v, vi_v):
    wid = lax.axis_index("s") * 2 + lax.axis_index("c")

    @pl.when(wid == 0)
    def _():
        pltpu.sync_copy(score_hbm, score_v)
        iota16 = lax.iota(jnp.int32, 16)

        def step(i, carry):
            vm, vidx = carry
            chunk = score_v[pl.ds(i * 16, 16)]
            better = chunk > vm
            return (jnp.where(better, chunk, vm),
                    jnp.where(better, iota16 + i * 16, vidx))

        vm, vidx = lax.fori_loop(
            0, _N // 16, step,
            (jnp.full((16,), -jnp.inf, jnp.float32), jnp.zeros((16,), jnp.int32)))
        for shift in (8, 4, 2, 1):
            vm_v[...] = vm
            vi_v[...] = vidx
            perm = jnp.bitwise_and(iota16 + shift, 15)
            vm2 = plsc.load_gather(vm_v, [perm])
            vi2 = plsc.load_gather(vi_v, [perm])
            better = (vm2 > vm) | ((vm2 == vm) & (vi2 < vidx))
            vm = jnp.where(better, vm2, vm)
            vidx = jnp.where(better, vi2, vidx)
        node_v[...] = vidx
        pltpu.sync_copy(node_v, node_hbm)


def _xh_body(ge, node_s, w1, b1, xh_o):
    x = ge[pl.ds(node_s[0], 1), :]
    xh_o[...] = jnp.maximum(
        jnp.dot(x, w1[...], preferred_element_type=jnp.float32) + b1[...], 0.0)


def _actor_body(xh, iota_c, w2a, w2b, w2c, w2d, madd, sadd, xfer_o, lp_o, acc_s, idx_s):
    i = pl.program_id(0)

    @pl.when(i == 0)
    def _init():
        acc_s[0] = -jnp.inf
        acc_s[1] = 0.0
        acc_s[2] = -jnp.inf
        acc_s[3] = 0.0
        idx_s[0] = 0

    dn = (((1,), (1,)), ((), ()))
    mm = jnp.concatenate(
        [jax.lax.dot_general(xh[...], w[...], dimension_numbers=dn,
                             preferred_element_type=jnp.float32)
         for w in (w2a, w2b, w2c, w2d)], axis=1)
    masked = mm + madd[...]
    score = mm + sadd[...]

    m_old = acc_s[2]
    m_new = jnp.maximum(m_old, jnp.max(masked))
    acc_s[3] = acc_s[3] * jnp.exp(m_old - m_new) + jnp.sum(jnp.exp(masked - m_new))
    acc_s[2] = m_new

    bm = jnp.max(score)

    @pl.when(bm > acc_s[0])
    def _update_best():
        loc = jnp.min(jnp.where(score == bm, iota_c[...], _BA2))
        acc_s[0] = bm
        acc_s[1] = jnp.max(jnp.where(iota_c[...] == loc, masked, -jnp.inf))
        idx_s[0] = i * _BA2 + loc

    @pl.when(i == _NSTEPS - 1)
    def _finalize():
        xfer_o[0] = idx_s[0]
        lp_o[0] = acc_s[1] - (acc_s[2] + jnp.log(acc_s[3]))


def kernel(graph_embed, mask, W1, b1, W2, b2, V1, c1, V2, c2):
    apad = _BA * _NBLK
    pen = b2 + jnp.where(mask, jnp.float32(0), jnp.float32(-1e10))
    madd = jnp.concatenate(
        [pen, jnp.full((apad - _A,), -1e30, jnp.float32)]).reshape(1, apad)
    sadd = jnp.concatenate(
        [pen + jnp.asarray(_G_XFER[0]), jnp.full((apad - _A,), -jnp.inf, jnp.float32)]
    ).reshape(1, apad)

    score = pl.pallas_call(
        _critic_body,
        in_specs=[
            pl.BlockSpec((_N, _D), lambda: (0, 0)),
            pl.BlockSpec((_N, 1), lambda: (0, 0)),
            pl.BlockSpec((_D, _CH), lambda: (0, 0)),
            pl.BlockSpec((1, _CH), lambda: (0, 0)),
            pl.BlockSpec((1, _CH), lambda: (0, 0)),
            pl.BlockSpec((1, 1), lambda: (0, 0)),
        ],
        out_specs=pl.BlockSpec((_N, 1), lambda: (0, 0)),
        out_shape=jax.ShapeDtypeStruct((_N, 1), jnp.float32),
    )(graph_embed, jnp.asarray(_G_NODE),
      V1, c1.reshape(1, _CH), V2.T, c2.reshape(1, 1))

    mesh = plsc.VectorSubcoreMesh(core_axis_name="c", subcore_axis_name="s")
    node_arr = pl.kernel(
        _node_sample_sc,
        out_type=jax.ShapeDtypeStruct((16,), jnp.int32),
        mesh=mesh,
        compiler_params=pltpu.CompilerParams(needs_layout_passes=False),
        scratch_types=[
            pltpu.VMEM((_N,), jnp.float32),
            pltpu.VMEM((16,), jnp.int32),
            pltpu.VMEM((16,), jnp.float32),
            pltpu.VMEM((16,), jnp.int32),
        ],
    )(score.reshape(_N))

    xh = pl.pallas_call(
        _xh_body,
        in_specs=[
            pl.BlockSpec((_N, _D), lambda: (0, 0)),
            pl.BlockSpec(memory_space=pltpu.SMEM),
            pl.BlockSpec((_D, _AH), lambda: (0, 0)),
            pl.BlockSpec((1, _AH), lambda: (0, 0)),
        ],
        out_specs=pl.BlockSpec((1, _AH), lambda: (0, 0)),
        out_shape=jax.ShapeDtypeStruct((1, _AH), jnp.float32),
    )(graph_embed, node_arr, W1, b1.reshape(1, _AH))
    node = node_arr[:1]

    xfer, lp = pl.pallas_call(
        _actor_body,
        grid=(_NSTEPS,),
        in_specs=[
            pl.BlockSpec((1, _AH), lambda i: (0, 0)),
            pl.BlockSpec((1, _BA2), lambda i: (0, 0)),
            pl.BlockSpec((_BA, _AH), lambda i: (4 * i, 0)),
            pl.BlockSpec((_BA, _AH), lambda i: (4 * i + 1, 0)),
            pl.BlockSpec((_BA, _AH), lambda i: (4 * i + 2, 0)),
            pl.BlockSpec((_BA, _AH), lambda i: (4 * i + 3, 0)),
            pl.BlockSpec((1, _BA2), lambda i: (0, i)),
            pl.BlockSpec((1, _BA2), lambda i: (0, i)),
        ],
        out_specs=[
            pl.BlockSpec(memory_space=pltpu.SMEM),
            pl.BlockSpec(memory_space=pltpu.SMEM),
        ],
        out_shape=[
            jax.ShapeDtypeStruct((1,), jnp.int32),
            jax.ShapeDtypeStruct((1,), jnp.float32),
        ],
        scratch_shapes=[
            pltpu.SMEM((4,), jnp.float32),
            pltpu.SMEM((1,), jnp.int32),
        ],
    )(xh, jnp.asarray(_IOTA_BA), W2.T, W2.T, W2.T, W2.T, madd, sadd)
    return node.reshape(()), xfer.reshape(()), lp.reshape(())

# --- scband reference (transcript-rebuilt; emitter-appended) ---
"""Pipeline reference for scband-actor-critic-35459249995863 (READ-ONLY COPY).

The authoritative reference and input builder live on the scoring server;
editing this copy changes nothing except your own understanding.
"""

import jax, jax.numpy as jnp
import numpy as np

N, D, AH, CH, A = 10000, 128, 256, 256, 100000

def setup_inputs(seed: int = 0) -> dict:
    key = jax.random.key(seed)
    ks = jax.random.split(key, 12)
    inp = {}
    inp["graph_embed"] = jax.random.normal(ks[0], (N, D), dtype=jnp.float32)
    inp["mask"] = jax.random.randint(ks[1], (A,), 0, 2) > 0
    # actor params
    inp["W1"] = jax.random.normal(ks[2], (D, AH), dtype=jnp.float32) * 0.05
    inp["b1"] = jnp.zeros((AH,), dtype=jnp.float32)
    inp["W2"] = jax.random.normal(ks[3], (AH, A), dtype=jnp.float32) * 0.05
    inp["b2"] = jnp.zeros((A,), dtype=jnp.float32)
    # critic params
    inp["V1"] = jax.random.normal(ks[4], (D, CH), dtype=jnp.float32) * 0.05
    inp["c1"] = jnp.zeros((CH,), dtype=jnp.float32)
    inp["V2"] = jax.random.normal(ks[5], (CH, 1), dtype=jnp.float32) * 0.05
    inp["c2"] = jnp.zeros((1,), dtype=jnp.float32)
    return inp

def reference(graph_embed, mask, W1, b1, W2, b2, V1, c1, V2, c2):
    # critic: per-node values -> softmax over nodes -> categorical node sample
    h = jax.nn.relu(graph_embed @ V1 + c1)
    node_vs = (h @ V2 + c2).squeeze(-1)                 # [N]
    node_logprobs = jax.nn.log_softmax(node_vs, axis=-1)
    node = jax.random.categorical(jax.random.key(42), node_logprobs)
    # actor on the sampled node's embedding
    x = graph_embed[node]                               # gather one row
    xh = jax.nn.relu(x @ W1 + b1)
    xfer_logits = xh @ W2 + b2                          # [A]
    # masked_softmax: logits[~mask] -= 1e10, then softmax
    masked_logits = jnp.where(mask, xfer_logits, xfer_logits - 1e10)
    xfer_logprobs = jax.nn.log_softmax(masked_logits, axis=-1)
    xfer = jax.random.categorical(jax.random.key(43), xfer_logprobs)
    xfer_logprob = xfer_logprobs[xfer]
    return node, xfer, xfer_logprob

if __name__ == "__main__":
    import jax
    _d = setup_inputs()
    print(jax.jit(kernel)(*tuple(_d.values())))

</pallas_src>

<mosaic_0001>
#map = affine_map<(d0, d1) -> (0)>
module attributes {stable_mosaic.version = 14 : i64} {
  func.func @_node_sample_sc(%arg0: i32, %arg1: i32, %arg2: memref<10000xf32, #tpu.memory_space<hbm>>, %arg3: memref<16xi32, #tpu.memory_space<hbm>>, %arg4: memref<10000xf32, #tpu.memory_space<vmem>>, %arg5: memref<16xi32, #tpu.memory_space<vmem>>, %arg6: memref<16xf32, #tpu.memory_space<vmem>>, %arg7: memref<16xi32, #tpu.memory_space<vmem>>) attributes {dimension_semantics = [#tpu.dimension_semantics<core_parallel>, #tpu.dimension_semantics<subcore_parallel>], iteration_bounds = array<i64: 2, 16>, scalar_prefetch = 0 : i64, scratch_operands = 4 : i64, tpu.core_type = #tpu.core_type<sc_vector_subcore>, window_params = [{transform_indices = #map}, {transform_indices = #map}]} {
    %mul3A = arith.constant 2 : i32
    %mul3A_0 = arith.muli %arg1, %mul3A : i32
    %add3A = arith.addi %mul3A_0, %arg0 : i32
    %eq3A = arith.constant 0 : i32
    %eq3A_1 = arith.cmpi eq, %add3A, %eq3A : i32
    %convert_element_type3A = arith.extui %eq3A_1 : i1 to i32
    %cond3A = arith.constant 0 : i32
    %cond3A_2 = arith.cmpi ne, %convert_element_type3A, %cond3A : i32
    scf.if %cond3A_2 {
      "tpu.region"() ({
        %run_scoped3A = tpu.sem_alloc : memref<!tpu.dma_semaphore, #tpu.memory_space<semaphore_mem>>
        tpu.enqueue_dma source(%arg2 : memref<10000xf32, #tpu.memory_space<hbm>>) target(%arg4 : memref<10000xf32, #tpu.memory_space<vmem>>) target_semaphore(%run_scoped3A : memref<!tpu.dma_semaphore, #tpu.memory_space<semaphore_mem>>)
        tpu.wait_dma2 semaphore(%run_scoped3A : memref<!tpu.dma_semaphore, #tpu.memory_space<semaphore_mem>>) src(%arg2 : memref<10000xf32, #tpu.memory_space<hbm>>) dst(%arg4 : memref<10000xf32, #tpu.memory_space<vmem>>)
        tpu.yield
      }) : () -> ()
      %iota3A = tpu.iota {dimensions = array<i32: 0>} : vector<16xi32>
      %broadcast_in_dim3A = arith.constant 0xFF800000 : f32
      %broadcast_in_dim3A_3 = vector.broadcast %broadcast_in_dim3A : f32 to vector<16xf32>
      %broadcast_in_dim3A_4 = arith.constant 0 : i32
      %broadcast_in_dim3A_5 = vector.broadcast %broadcast_in_dim3A_4 : i32 to vector<16xi32>
      %scan3A = arith.constant 0 : i32
      %scan3A_6 = arith.constant 625 : i32
      %scan3A_7 = arith.addi %scan3A, %scan3A_6 : i32
      %scan3A_8 = arith.constant 1 : i32
      %scan3A_9:2 = scf.for %scan3A_82 = %scan3A to %scan3A_7 step %scan3A_8 iter_args(%scan3A_83 = %broadcast_in_dim3A_3, %scan3A_84 = %broadcast_in_dim3A_5) -> (vector<16xf32>, vector<16xi32>)  : i32 {
        %mul3A_85 = arith.constant 16 : i32
        %mul3A_86 = arith.muli %scan3A_82, %mul3A_85 : i32
        %get3A = arith.index_cast %mul3A_86 : i32 to index
        %get3A_87 = tpu.vector_load %arg4[%get3A] {strides = array<i32>} : memref<10000xf32, #tpu.memory_space<vmem>>, vector<16xf32>,
        %gt3A_88 = arith.cmpf ogt, %get3A_87, %scan3A_83 : vector<16xf32>
        %select_n3A_89 = arith.select %gt3A_88, %get3A_87, %scan3A_83 : vector<16xi1>, vector<16xf32>
        %mul3A_90 = arith.constant 16 : i32
        %mul3A_91 = arith.muli %scan3A_82, %mul3A_90 : i32
        %add3A_92 = vector.broadcast %mul3A_91 : i32 to vector<16xi32>
        %add3A_93 = arith.addi %iota3A, %add3A_92 : vector<16xi32>
        %select_n3A_94 = arith.select %gt3A_88, %add3A_93, %scan3A_84 : vector<16xi1>, vector<16xi32>
        scf.yield %select_n3A_89, %select_n3A_94 : vector<16xf32>, vector<16xi32>
      }
      %scan3A_10 = arith.constant 625 : i32
      %swap3A = arith.constant 0 : index
      %swap3A_11 = tpu.vector_load %arg6[%swap3A] {strides = array<i32>} : memref<16xf32, #tpu.memory_space<vmem>>, vector<16xf32>,
      tpu.vector_store %arg6[%swap3A], %scan3A_9#0 {strides = array<i32>} : memref<16xf32, #tpu.memory_space<vmem>>, vector<16xf32>,
      %swap3A_12 = arith.constant 0 : index
      %swap3A_13 = tpu.vector_load %arg7[%swap3A_12] {strides = array<i32>} : memref<16xi32, #tpu.memory_space<vmem>>, vector<16xi32>,
      tpu.vector_store %arg7[%swap3A_12], %scan3A_9#1 {strides = array<i32>} : memref<16xi32, #tpu.memory_space<vmem>>, vector<16xi32>,
      %add3A_14 = arith.constant 8 : i32
      %add3A_15 = vector.broadcast %add3A_14 : i32 to vector<16xi32>
      %add3A_16 = arith.addi %iota3A, %add3A_15 : vector<16xi32>
      %and3A = arith.constant 15 : i32
      %and3A_17 = vector.broadcast %and3A : i32 to vector<16xi32>
      %and3A_18 = arith.andi %add3A_16, %and3A_17 : vector<16xi32>
      %gather3A = tpu.vector_load_idx %arg6[%and3A_18] : memref<16xf32, #tpu.memory_space<vmem>>[vector<16xi32>], vector<16xf32>,
      %gather3A_19 = tpu.vector_load_idx %arg7[%and3A_18] : memref<16xi32, #tpu.memory_space<vmem>>[vector<16xi32>], vector<16xi32>,
      %gt3A = arith.cmpf ogt, %gather3A, %scan3A_9#0 : vector<16xf32>
      %eq3A_20 = arith.cmpf oeq, %gather3A, %scan3A_9#0 : vector<16xf32>
      %lt3A = arith.cmpi slt, %gather3A_19, %scan3A_9#1 : vector<16xi32>
      %and3A_21 = arith.andi %eq3A_20, %lt3A : vector<16xi1>
      %or3A = arith.ori %gt3A, %and3A_21 : vector<16xi1>
      %select_n3A = arith.select %or3A, %gather3A, %scan3A_9#0 : vector<16xi1>, vector<16xf32>
      %select_n3A_22 = arith.select %or3A, %gather3A_19, %scan3A_9#1 : vector<16xi1>, vector<16xi32>
      %swap3A_23 = arith.constant 0 : index
      %swap3A_24 = tpu.vector_load %arg6[%swap3A_23] {strides = array<i32>} : memref<16xf32, #tpu.memory_space<vmem>>, vector<16xf32>,
      tpu.vector_store %arg6[%swap3A_23], %select_n3A {strides = array<i32>} : memref<16xf32, #tpu.memory_space<vmem>>, vector<16xf32>,
      %swap3A_25 = arith.constant 0 : index
      %swap3A_26 = tpu.vector_load %arg7[%swap3A_25] {strides = array<i32>} : memref<16xi32, #tpu.memory_space<vmem>>, vector<16xi32>,
      tpu.vector_store %arg7[%swap3A_25], %select_n3A_22 {strides = array<i32>} : memref<16xi32, #tpu.memory_space<vmem>>, vector<16xi32>,
      %add3A_27 = arith.constant 4 : i32
      %add3A_28 = vector.broadcast %add3A_27 : i32 to vector<16xi32>
      %add3A_29 = arith.addi %iota3A, %add3A_28 : vector<16xi32>
      %and3A_30 = arith.constant 15 : i32
      %and3A_31 = vector.broadcast %and3A_30 : i32 to vector<16xi32>
      %and3A_32 = arith.andi %add3A_29, %and3A_31 : vector<16xi32>
      %gather3A_33 = tpu.vector_load_idx %arg6[%and3A_32] : memref<16xf32, #tpu.memory_space<vmem>>[vector<16xi32>], vector<16xf32>,
      %gather3A_34 = tpu.vector_load_idx %arg7[%and3A_32] : memref<16xi32, #tpu.memory_space<vmem>>[vector<16xi32>], vector<16xi32>,
      %gt3A_35 = arith.cmpf ogt, %gather3A_33, %select_n3A : vector<16xf32>
      %eq3A_36 = arith.cmpf oeq, %gather3A_33, %select_n3A : vector<16xf32>
      %lt3A_37 = arith.cmpi slt, %gather3A_34, %select_n3A_22 : vector<16xi32>
      %and3A_38 = arith.andi %eq3A_36, %lt3A_37 : vector<16xi1>
      %or3A_39 = arith.ori %gt3A_35, %and3A_38 : vector<16xi1>
      %select_n3A_40 = arith.select %or3A_39, %gather3A_33, %select_n3A : vector<16xi1>, vector<16xf32>
      %select_n3A_41 = arith.select %or3A_39, %gather3A_34, %select_n3A_22 : vector<16xi1>, vector<16xi32>
      %swap3A_42 = arith.constant 0 : index
      %swap3A_43 = tpu.vector_load %arg6[%swap3A_42] {strides = array<i32>} : memref<16xf32, #tpu.memory_space<vmem>>, vector<16xf32>,
      tpu.vector_store %arg6[%swap3A_42], %select_n3A_40 {strides = array<i32>} : memref<16xf32, #tpu.memory_space<vmem>>, vector<16xf32>,
      %swap3A_44 = arith.constant 0 : index
      %swap3A_45 = tpu.vector_load %arg7[%swap3A_44] {strides = array<i32>} : memref<16xi32, #tpu.memory_space<vmem>>, vector<16xi32>,
      tpu.vector_store %arg7[%swap3A_44], %select_n3A_41 {strides = array<i32>} : memref<16xi32, #tpu.memory_space<vmem>>, vector<16xi32>,
      %add3A_46 = arith.constant 2 : i32
      %add3A_47 = vector.broadcast %add3A_46 : i32 to vector<16xi32>
      %add3A_48 = arith.addi %iota3A, %add3A_47 : vector<16xi32>
      %and3A_49 = arith.constant 15 : i32
      %and3A_50 = vector.broadcast %and3A_49 : i32 to vector<16xi32>
      %and3A_51 = arith.andi %add3A_48, %and3A_50 : vector<16xi32>
      %gather3A_52 = tpu.vector_load_idx %arg6[%and3A_51] : memref<16xf32, #tpu.memory_space<vmem>>[vector<16xi32>], vector<16xf32>,
      %gather3A_53 = tpu.vector_load_idx %arg7[%and3A_51] : memref<16xi32, #tpu.memory_space<vmem>>[vector<16xi32>], vector<16xi32>,
      %gt3A_54 = arith.cmpf ogt, %gather3A_52, %select_n3A_40 : vector<16xf32>
      %eq3A_55 = arith.cmpf oeq, %gather3A_52, %select_n3A_40 : vector<16xf32>
      %lt3A_56 = arith.cmpi slt, %gather3A_53, %select_n3A_41 : vector<16xi32>
      %and3A_57 = arith.andi %eq3A_55, %lt3A_56 : vector<16xi1>
      %or3A_58 = arith.ori %gt3A_54, %and3A_57 : vector<16xi1>
      %select_n3A_59 = arith.select %or3A_58, %gather3A_52, %select_n3A_40 : vector<16xi1>, vector<16xf32>
      %select_n3A_60 = arith.select %or3A_58, %gather3A_53, %select_n3A_41 : vector<16xi1>, vector<16xi32>
      %swap3A_61 = arith.constant 0 : index
      %swap3A_62 = tpu.vector_load %arg6[%swap3A_61] {strides = array<i32>} : memref<16xf32, #tpu.memory_space<vmem>>, vector<16xf32>,
      tpu.vector_store %arg6[%swap3A_61], %select_n3A_59 {strides = array<i32>} : memref<16xf32, #tpu.memory_space<vmem>>, vector<16xf32>,
      %swap3A_63 = arith.constant 0 : index
      %swap3A_64 = tpu.vector_load %arg7[%swap3A_63] {strides = array<i32>} : memref<16xi32, #tpu.memory_space<vmem>>, vector<16xi32>,
      tpu.vector_store %arg7[%swap3A_63], %select_n3A_60 {strides = array<i32>} : memref<16xi32, #tpu.memory_space<vmem>>, vector<16xi32>,
      %add3A_65 = arith.constant 1 : i32
      %add3A_66 = vector.broadcast %add3A_65 : i32 to vector<16xi32>
      %add3A_67 = arith.addi %iota3A, %add3A_66 : vector<16xi32>
      %and3A_68 = arith.constant 15 : i32
      %and3A_69 = vector.broadcast %and3A_68 : i32 to vector<16xi32>
      %and3A_70 = arith.andi %add3A_67, %and3A_69 : vector<16xi32>
      %gather3A_71 = tpu.vector_load_idx %arg6[%and3A_70] : memref<16xf32, #tpu.memory_space<vmem>>[vector<16xi32>], vector<16xf32>,
      %gather3A_72 = tpu.vector_load_idx %arg7[%and3A_70] : memref<16xi32, #tpu.memory_space<vmem>>[vector<16xi32>], vector<16xi32>,
      %gt3A_73 = arith.cmpf ogt, %gather3A_71, %select_n3A_59 : vector<16xf32>
      %eq3A_74 = arith.cmpf oeq, %gather3A_71, %select_n3A_59 : vector<16xf32>
      %lt3A_75 = arith.cmpi slt, %gather3A_72, %select_n3A_60 : vector<16xi32>
      %and3A_76 = arith.andi %eq3A_74, %lt3A_75 : vector<16xi1>
      %or3A_77 = arith.ori %gt3A_73, %and3A_76 : vector<16xi1>
      %select_n3A_78 = arith.select %or3A_77, %gather3A_71, %select_n3A_59 : vector<16xi1>, vector<16xf32>
      %select_n3A_79 = arith.select %or3A_77, %gather3A_72, %select_n3A_60 : vector<16xi1>, vector<16xi32>
      %swap3A_80 = arith.constant 0 : index
      %swap3A_81 = tpu.vector_load %arg5[%swap3A_80] {strides = array<i32>} : memref<16xi32, #tpu.memory_space<vmem>>, vector<16xi32>,
      tpu.vector_store %arg5[%swap3A_80], %select_n3A_79 {strides = array<i32>} : memref<16xi32, #tpu.memory_space<vmem>>, vector<16xi32>,
      "tpu.region"() ({
        %run_scoped3A = tpu.sem_alloc : memref<!tpu.dma_semaphore, #tpu.memory_space<semaphore_mem>>
        tpu.enqueue_dma source(%arg5 : memref<16xi32, #tpu.memory_space<vmem>>) target(%arg3 : memref<16xi32, #tpu.memory_space<hbm>>) target_semaphore(%run_scoped3A : memref<!tpu.dma_semaphore, #tpu.memory_space<semaphore_mem>>)
        tpu.wait_dma2 semaphore(%run_scoped3A : memref<!tpu.dma_semaphore, #tpu.memory_space<semaphore_mem>>) src(%arg5 : memref<16xi32, #tpu.memory_space<vmem>>) dst(%arg3 : memref<16xi32, #tpu.memory_space<hbm>>)
        tpu.yield
      }) : () -> ()
    } else {
    }
    return
  }
}

module attributes {stable_mosaic.version = 14 : i64} {
  func.func @_critic_body(%arg0: memref<10000x128xf32, #tpu.memory_space<vmem>>, %arg1: memref<10000x1xf32, #tpu.memory_space<vmem>>, %arg2: memref<128x256xf32, #tpu.memory_space<vmem>>, %arg3: memref<1x256xf32, #tpu.memory_space<vmem>>, %arg4: memref<1x256xf32, #tpu.memory_space<vmem>>, %arg5: memref<1x1xf32, #tpu.memory_space<vmem>>, %arg6: memref<10000x1xf32, #tpu.memory_space<vmem>>) attributes {dimension_semantics = [], scalar_prefetch = 0 : i64, scratch_operands = 0 : i64, tpu.core_type = #tpu.core_type<tc>} {
    %get3A = arith.constant 0 : index
    %get3A_0 = arith.constant 0 : index
    %get3A_1 = vector.load %arg0[%get3A, %get3A_0] : memref<10000x128xf32, #tpu.memory_space<vmem>>, vector<10000x128xf32>
    %get3A_2 = arith.constant 0 : index
    %get3A_3 = arith.constant 0 : index
    %get3A_4 = vector.load %arg2[%get3A_2, %get3A_3] : memref<128x256xf32, #tpu.memory_space<vmem>>, vector<128x256xf32>
    %dot_general3A = arith.constant dense<0.000000e+00> : vector<10000x256xf32>
    %dot_general3A_5 = tpu.matmul %get3A_1, %get3A_4, %dot_general3A {dimension_numbers = #tpu.dot_dimension_numbers<[1], [0], [0], [1], [0, 0, 1, 1], [], []>, transpose_lhs_hint = false} : vector<10000x128xf32>, vector<128x256xf32>, vector<10000x256xf32> -> vector<10000x256xf32>
    %get3A_6 = arith.constant 0 : index
    %get3A_7 = arith.constant 0 : index
    %get3A_8 = vector.load %arg3[%get3A_6, %get3A_7] : memref<1x256xf32, #tpu.memory_space<vmem>>, vector<1x256xf32>
    %add3A = vector.broadcast %get3A_8 : vector<1x256xf32> to vector<10000x256xf32>
    %add3A_9 = arith.addf %dot_general3A_5, %add3A : vector<10000x256xf32>
    %max3A = arith.constant 0.000000e+00 : f32
    %max3A_10 = vector.broadcast %max3A : f32 to vector<10000x256xf32>
    %max3A_11 = arith.maximumf %add3A_9, %max3A_10 : vector<10000x256xf32>
    %get3A_12 = arith.constant 0 : index
    %get3A_13 = arith.constant 0 : index
    %get3A_14 = vector.load %arg4[%get3A_12, %get3A_13] : memref<1x256xf32, #tpu.memory_space<vmem>>, vector<1x256xf32>
    %mul3A = vector.broadcast %get3A_14 : vector<1x256xf32> to vector<10000x256xf32>
    %mul3A_15 = arith.mulf %max3A_11, %mul3A : vector<10000x256xf32>
    %reduce_sum3A = arith.constant dense<0.000000e+00> : vector<10000xf32>
    %reduce_sum3A_16 = vector.multi_reduction <add>, %mul3A_15, %reduce_sum3A [1] : vector<10000x256xf32> to vector<10000xf32>
    %broadcast_in_dim3A = vector.shape_cast %reduce_sum3A_16 : vector<10000xf32> to vector<10000x1xf32>
    %get3A_17 = arith.constant 0 : index
    %get3A_18 = arith.constant 0 : index
    %get3A_19 = vector.load %arg5[%get3A_17, %get3A_18] : memref<1x1xf32, #tpu.memory_space<vmem>>, vector<1x1xf32>
    %add3A_20 = vector.broadcast %get3A_19 : vector<1x1xf32> to vector<10000x1xf32>
    %add3A_21 = arith.addf %broadcast_in_dim3A, %add3A_20 : vector<10000x1xf32>
    %get3A_22 = arith.constant 0 : index
    %get3A_23 = arith.constant 0 : index
    %get3A_24 = vector.load %arg1[%get3A_22, %get3A_23] : memref<10000x1xf32, #tpu.memory_space<vmem>>, vector<10000x1xf32>
    %add3A_25 = arith.addf %add3A_21, %get3A_24 : vector<10000x1xf32>
    %swap3A = arith.constant 0 : index
    %swap3A_26 = arith.constant 0 : index
    %swap3A_27 = vector.load %arg6[%swap3A, %swap3A_26] : memref<10000x1xf32, #tpu.memory_space<vmem>>, vector<10000x1xf32>
    tpu.vector_store %arg6[%swap3A, %swap3A_26], %add3A_25 {strides = array<i32>} : memref<10000x1xf32, #tpu.memory_space<vmem>>, vector<10000x1xf32>,
    return
  }
}

module attributes {stable_mosaic.version = 14 : i64} {
  func.func @_xh_body(%arg0: memref<10000x128xf32, #tpu.memory_space<vmem>>, %arg1: memref<16xi32, #tpu.memory_space<smem>>, %arg2: memref<128x256xf32, #tpu.memory_space<vmem>>, %arg3: memref<1x256xf32, #tpu.memory_space<vmem>>, %arg4: memref<1x256xf32, #tpu.memory_space<vmem>>) attributes {dimension_semantics = [], scalar_prefetch = 0 : i64, scratch_operands = 0 : i64, tpu.core_type = #tpu.core_type<tc>} {
    %get3A = arith.constant 0 : index
    %get3A_0 = memref.load %arg1[%get3A] : memref<16xi32, #tpu.memory_space<smem>>
    %get3A_1 = arith.index_cast %get3A_0 : i32 to index
    %get3A_2 = arith.constant 0 : index
    %get3A_3 = vector.load %arg0[%get3A_1, %get3A_2] : memref<10000x128xf32, #tpu.memory_space<vmem>>, vector<1x128xf32>
    %get3A_4 = arith.constant 0 : index
    %get3A_5 = arith.constant 0 : index
    %get3A_6 = vector.load %arg2[%get3A_4, %get3A_5] : memref<128x256xf32, #tpu.memory_space<vmem>>, vector<128x256xf32>
    %dot_general3A = arith.constant dense<0.000000e+00> : vector<1x256xf32>
    %dot_general3A_7 = tpu.matmul %get3A_3, %get3A_6, %dot_general3A {dimension_numbers = #tpu.dot_dimension_numbers<[1], [0], [0], [1], [0, 0, 1, 1], [], []>, transpose_lhs_hint = false} : vector<1x128xf32>, vector<128x256xf32>, vector<1x256xf32> -> vector<1x256xf32>
    %get3A_8 = arith.constant 0 : index
    %get3A_9 = arith.constant 0 : index
    %get3A_10 = vector.load %arg3[%get3A_8, %get3A_9] : memref<1x256xf32, #tpu.memory_space<vmem>>, vector<1x256xf32>
    %add3A = arith.addf %dot_general3A_7, %get3A_10 : vector<1x256xf32>
    %max3A = arith.constant 0.000000e+00 : f32
    %max3A_11 = vector.broadcast %max3A : f32 to vector<1x256xf32>
    %max3A_12 = arith.maximumf %add3A, %max3A_11 : vector<1x256xf32>
    %swap3A = arith.constant 0 : index
    %swap3A_13 = arith.constant 0 : index
    %swap3A_14 = vector.load %arg4[%swap3A, %swap3A_13] : memref<1x256xf32, #tpu.memory_space<vmem>>, vector<1x256xf32>
    tpu.vector_store %arg4[%swap3A, %swap3A_13], %max3A_12 {strides = array<i32>} : memref<1x256xf32, #tpu.memory_space<vmem>>, vector<1x256xf32>,
    return
  }
}

module attributes {stable_mosaic.version = 14 : i64} {
  func.func @_actor_body(%arg0: i32, %arg1: memref<1x256xf32, #tpu.memory_space<vmem>>, %arg2: memref<1x12544xi32, #tpu.memory_space<vmem>>, %arg3: memref<3136x256xf32, #tpu.memory_space<vmem>>, %arg4: memref<3136x256xf32, #tpu.memory_space<vmem>>, %arg5: memref<3136x256xf32, #tpu.memory_space<vmem>>, %arg6: memref<3136x256xf32, #tpu.memory_space<vmem>>, %arg7: memref<1x12544xf32, #tpu.memory_space<vmem>>, %arg8: memref<1x12544xf32, #tpu.memory_space<vmem>>, %arg9: memref<1xi32, #tpu.memory_space<smem>>, %arg10: memref<1xf32, #tpu.memory_space<smem>>, %arg11: memref<4xf32, #tpu.memory_space<smem>>, %arg12: memref<1xi32, #tpu.memory_space<smem>>) attributes {dimension_semantics = [#tpu.dimension_semantics<arbitrary>], iteration_bounds = array<i64: 8>, scalar_prefetch = 0 : i64, scratch_operands = 2 : i64, tpu.core_type = #tpu.core_type<tc>, window_params = [{pipeline_mode = #tpu.pipeline_mode<synchronous>, transform_indices = @transform_0, window_bounds = array<i64: 1, 256>}, {pipeline_mode = #tpu.pipeline_mode<synchronous>, transform_indices = @transform_1, window_bounds = array<i64: 1, 12544>}, {transform_indices = @transform_2, window_bounds = array<i64: 3136, 256>}, {transform_indices = @transform_3, window_bounds = array<i64: 3136, 256>}, {transform_indices = @transform_4, window_bounds = array<i64: 3136, 256>}, {transform_indices = @transform_5, window_bounds = array<i64: 3136, 256>}, {transform_indices = @transform_6, window_bounds = array<i64: 1, 12544>}, {transform_indices = @transform_7, window_bounds = array<i64: 1, 12544>}, {transform_indices = @transform_8, window_bounds = array<i64: 1>}, {transform_indices = @transform_9, window_bounds = array<i64: 1>}]} {
    %eq3A = arith.constant 0 : i32
    %eq3A_0 = arith.cmpi eq, %arg0, %eq3A : i32
    %convert_element_type3A = arith.extui %eq3A_0 : i1 to i32
    %cond3A = arith.constant 0 : i32
    %cond3A_1 = arith.cmpi ne, %convert_element_type3A, %cond3A : i32
    scf.if %cond3A_1 {
      %swap3A_73 = arith.constant 0xFF800000 : f32
      %swap3A_74 = arith.constant 0 : index
      %swap3A_75 = memref.load %arg11[%swap3A_74] : memref<4xf32, #tpu.memory_space<smem>>
      memref.store %swap3A_73, %arg11[%swap3A_74] : memref<4xf32, #tpu.memory_space<smem>>
      %swap3A_76 = arith.constant 0.000000e+00 : f32
      %swap3A_77 = arith.constant 1 : index
      %swap3A_78 = memref.load %arg11[%swap3A_77] : memref<4xf32, #tpu.memory_space<smem>>
      memref.store %swap3A_76, %arg11[%swap3A_77] : memref<4xf32, #tpu.memory_space<smem>>
      %swap3A_79 = arith.constant 0xFF800000 : f32
      %swap3A_80 = arith.constant 2 : index
      %swap3A_81 = memref.load %arg11[%swap3A_80] : memref<4xf32, #tpu.memory_space<smem>>
      memref.store %swap3A_79, %arg11[%swap3A_80] : memref<4xf32, #tpu.memory_space<smem>>
      %swap3A_82 = arith.constant 0.000000e+00 : f32
      %swap3A_83 = arith.constant 3 : index
      %swap3A_84 = memref.load %arg11[%swap3A_83] : memref<4xf32, #tpu.memory_space<smem>>
      memref.store %swap3A_82, %arg11[%swap3A_83] : memref<4xf32, #tpu.memory_space<smem>>
      %swap3A_85 = arith.constant 0 : i32
      %swap3A_86 = arith.constant 0 : index
      %swap3A_87 = memref.load %arg12[%swap3A_86] : memref<1xi32, #tpu.memory_space<smem>>
      memref.store %swap3A_85, %arg12[%swap3A_86] : memref<1xi32, #tpu.memory_space<smem>>
    } else {
    }
    %get3A = arith.constant 0 : index
    %get3A_2 = arith.constant 0 : index
    %get3A_3 = vector.load %arg1[%get3A, %get3A_2] : memref<1x256xf32, #tpu.memory_space<vmem>>, vector<1x256xf32>
    %get3A_4 = arith.constant 0 : index
    %get3A_5 = arith.constant 0 : index
    %get3A_6 = vector.load %arg3[%get3A_4, %get3A_5] : memref<3136x256xf32, #tpu.memory_space<vmem>>, vector<3136x256xf32>
    %dot_general3A = arith.constant dense<0.000000e+00> : vector<1x3136xf32>
    %dot_general3A_7 = tpu.matmul %get3A_3, %get3A_6, %dot_general3A {dimension_numbers = #tpu.dot_dimension_numbers<[1], [1], [0], [0], [0, 0, 1, 0], [], []>, transpose_lhs_hint = false} : vector<1x256xf32>, vector<3136x256xf32>, vector<1x3136xf32> -> vector<1x3136xf32>
    %get3A_8 = arith.constant 0 : index
    %get3A_9 = arith.constant 0 : index
    %get3A_10 = vector.load %arg1[%get3A_8, %get3A_9] : memref<1x256xf32, #tpu.memory_space<vmem>>, vector<1x256xf32>
    %get3A_11 = arith.constant 0 : index
    %get3A_12 = arith.constant 0 : index
    %get3A_13 = vector.load %arg4[%get3A_11, %get3A_12] : memref<3136x256xf32, #tpu.memory_space<vmem>>, vector<3136x256xf32>
    %dot_general3A_14 = arith.constant dense<0.000000e+00> : vector<1x3136xf32>
    %dot_general3A_15 = tpu.matmul %get3A_10, %get3A_13, %dot_general3A_14 {dimension_numbers = #tpu.dot_dimension_numbers<[1], [1], [0], [0], [0, 0, 1, 0], [], []>, transpose_lhs_hint = false} : vector<1x256xf32>, vector<3136x256xf32>, vector<1x3136xf32> -> vector<1x3136xf32>
    %get3A_16 = arith.constant 0 : index
    %get3A_17 = arith.constant 0 : index
    %get3A_18 = vector.load %arg1[%get3A_16, %get3A_17] : memref<1x256xf32, #tpu.memory_space<vmem>>, vector<1x256xf32>
    %get3A_19 = arith.constant 0 : index
    %get3A_20 = arith.constant 0 : index
    %get3A_21 = vector.load %arg5[%get3A_19, %get3A_20] : memref<3136x256xf32, #tpu.memory_space<vmem>>, vector<3136x256xf32>
    %dot_general3A_22 = arith.constant dense<0.000000e+00> : vector<1x3136xf32>
    %dot_general3A_23 = tpu.matmul %get3A_18, %get3A_21, %dot_general3A_22 {dimension_numbers = #tpu.dot_dimension_numbers<[1], [1], [0], [0], [0, 0, 1, 0], [], []>, transpose_lhs_hint = false} : vector<1x256xf32>, vector<3136x256xf32>, vector<1x3136xf32> -> vector<1x3136xf32>
    %get3A_24 = arith.constant 0 : index
    %get3A_25 = arith.constant 0 : index
    %get3A_26 = vector.load %arg1[%get3A_24, %get3A_25] : memref<1x256xf32, #tpu.memory_space<vmem>>, vector<1x256xf32>
    %get3A_27 = arith.constant 0 : index
    %get3A_28 = arith.constant 0 : index
    %get3A_29 = vector.load %arg6[%get3A_27, %get3A_28] : memref<3136x256xf32, #tpu.memory_space<vmem>>, vector<3136x256xf32>
    %dot_general3A_30 = arith.constant dense<0.000000e+00> : vector<1x3136xf32>
    %dot_general3A_31 = tpu.matmul %get3A_26, %get3A_29, %dot_general3A_30 {dimension_numbers = #tpu.dot_dimension_numbers<[1], [1], [0], [0], [0, 0, 1, 0], [], []>, transpose_lhs_hint = false} : vector<1x256xf32>, vector<3136x256xf32>, vector<1x3136xf32> -> vector<1x3136xf32>
    %concatenate3A = tpu.concatenate %dot_general3A_7, %dot_general3A_15, %dot_general3A_23, %dot_general3A_31 in 1 : vector<1x3136xf32>, vector<1x3136xf32>, vector<1x3136xf32>, vector<1x3136xf32> -> vector<1x12544xf32>
    %get3A_32 = arith.constant 0 : index
    %get3A_33 = arith.constant 0 : index
    %get3A_34 = vector.load %arg7[%get3A_32, %get3A_33] : memref<1x12544xf32, #tpu.memory_space<vmem>>, vector<1x12544xf32>
    %add3A = arith.addf %concatenate3A, %get3A_34 : vector<1x12544xf32>
    %get3A_35 = arith.constant 0 : index
    %get3A_36 = arith.constant 0 : index
    %get3A_37 = vector.load %arg8[%get3A_35, %get3A_36] : memref<1x12544xf32, #tpu.memory_space<vmem>>, vector<1x12544xf32>
    %add3A_38 = arith.addf %concatenate3A, %get3A_37 : vector<1x12544xf32>
    %get3A_39 = arith.constant 2 : index
    %get3A_40 = memref.load %arg11[%get3A_39] : memref<4xf32, #tpu.memory_space<smem>>
    %reduce_max3A = vector.shape_cast %add3A : vector<1x12544xf32> to vector<1x1x12544xf32>
    %reduce_max3A_41 = arith.constant dense<0xFF800000> : vector<1xf32>
    %reduce_max3A_42 = vector.multi_reduction <maximumf>, %reduce_max3A, %reduce_max3A_41 [1, 2] : vector<1x1x12544xf32> to vector<1xf32>
    %reduce_max3A_43 = vector.shape_cast %reduce_max3A_42 : vector<1xf32> to vector<1x1x1xf32>
    %reduce_max3A_44 = vector.extract %reduce_max3A_43[0, 0, 0] : f32 from vector<1x1x1xf32>
    %max3A = arith.maximumf %get3A_40, %reduce_max3A_44 : f32
    %get3A_45 = arith.constant 3 : index
    %get3A_46 = memref.load %arg11[%get3A_45] : memref<4xf32, #tpu.memory_space<smem>>
    %sub3A = arith.subf %get3A_40, %max3A : f32
    %exp3A = math.exp %sub3A : f32
    %mul3A = arith.mulf %get3A_46, %exp3A : f32
    %sub3A_47 = vector.broadcast %max3A : f32 to vector<1x12544xf32>
    %sub3A_48 = arith.subf %add3A, %sub3A_47 : vector<1x12544xf32>
    %exp3A_49 = math.exp %sub3A_48 : vector<1x12544xf32>
    %reduce_sum3A = vector.shape_cast %exp3A_49 : vector<1x12544xf32> to vector<1x1x12544xf32>
    %reduce_sum3A_50 = arith.constant dense<0.000000e+00> : vector<1xf32>
    %reduce_sum3A_51 = vector.multi_reduction <add>, %reduce_sum3A, %reduce_sum3A_50 [1, 2] : vector<1x1x12544xf32> to vector<1xf32>
    %reduce_sum3A_52 = vector.shape_cast %reduce_sum3A_51 : vector<1xf32> to vector<1x1x1xf32>
    %reduce_sum3A_53 = vector.extract %reduce_sum3A_52[0, 0, 0] : f32 from vector<1x1x1xf32>
    %add3A_54 = arith.addf %mul3A, %reduce_sum3A_53 : f32
    %swap3A = arith.constant 3 : index
    %swap3A_55 = memref.load %arg11[%swap3A] : memref<4xf32, #tpu.memory_space<smem>>
    memref.store %add3A_54, %arg11[%swap3A] : memref<4xf32, #tpu.memory_space<smem>>
    %swap3A_56 = arith.constant 2 : index
    %swap3A_57 = memref.load %arg11[%swap3A_56] : memref<4xf32, #tpu.memory_space<smem>>
    memref.store %max3A, %arg11[%swap3A_56] : memref<4xf32, #tpu.memory_space<smem>>
    %reduce_max3A_58 = vector.shape_cast %add3A_38 : vector<1x12544xf32> to vector<1x1x12544xf32>
    %reduce_max3A_59 = arith.constant dense<0xFF800000> : vector<1xf32>
    %reduce_max3A_60 = vector.multi_reduction <maximumf>, %reduce_max3A_58, %reduce_max3A_59 [1, 2] : vector<1x1x12544xf32> to vector<1xf32>
    %reduce_max3A_61 = vector.shape_cast %reduce_max3A_60 : vector<1xf32> to vector<1x1x1xf32>
    %reduce_max3A_62 = vector.extract %reduce_max3A_61[0, 0, 0] : f32 from vector<1x1x1xf32>
    %get3A_63 = arith.constant 0 : index
    %get3A_64 = memref.load %arg11[%get3A_63] : memref<4xf32, #tpu.memory_space<smem>>
    %gt3A = arith.cmpf ogt, %reduce_max3A_62, %get3A_64 : f32
    %convert_element_type3A_65 = arith.extui %gt3A : i1 to i32
    %cond3A_66 = arith.constant 0 : i32
    %cond3A_67 = arith.cmpi ne, %convert_element_type3A_65, %cond3A_66 : i32
    scf.if %cond3A_67 {
      %eq3A_73 = vector.broadcast %reduce_max3A_62 : f32 to vector<1x12544xf32>
      %eq3A_74 = arith.cmpf oeq, %add3A_38, %eq3A_73 : vector<1x12544xf32>
      %get3A_75 = arith.constant 0 : index
      %get3A_76 = arith.constant 0 : index
      %get3A_77 = vector.load %arg2[%get3A_75, %get3A_76] : memref<1x12544xi32, #tpu.memory_space<vmem>>, vector<1x12544xi32>
      %jit3A = arith.constant 12544 : i32
      %broadcast_in_dim3A = vector.broadcast %jit3A : i32 to vector<1x12544xi32>
      %select_n3A = arith.select %eq3A_74, %get3A_77, %broadcast_in_dim3A : vector<1x12544xi1>, vector<1x12544xi32>
      %reduce_min3A = vector.shape_cast %select_n3A : vector<1x12544xi32> to vector<1x1x12544xi32>
      %reduce_min3A_78 = arith.constant dense<2147483647> : vector<1xi32>
      %reduce_min3A_79 = vector.multi_reduction <minsi>, %reduce_min3A, %reduce_min3A_78 [1, 2] : vector<1x1x12544xi32> to vector<1xi32>
      %reduce_min3A_80 = vector.shape_cast %reduce_min3A_79 : vector<1xi32> to vector<1x1x1xi32>
      %reduce_min3A_81 = vector.extract %reduce_min3A_80[0, 0, 0] : i32 from vector<1x1x1xi32>
      %swap3A_82 = arith.constant 0 : index
      %swap3A_83 = memref.load %arg11[%swap3A_82] : memref<4xf32, #tpu.memory_space<smem>>
      memref.store %reduce_max3A_62, %arg11[%swap3A_82] : memref<4xf32, #tpu.memory_space<smem>>
      %get3A_84 = arith.constant 0 : index
      %get3A_85 = arith.constant 0 : index
      %get3A_86 = vector.load %arg2[%get3A_84, %get3A_85] : memref<1x12544xi32, #tpu.memory_space<vmem>>, vector<1x12544xi32>
      %eq3A_87 = vector.broadcast %reduce_min3A_81 : i32 to vector<1x12544xi32>
      %eq3A_88 = arith.cmpi eq, %get3A_86, %eq3A_87 : vector<1x12544xi32>
      %jit3A_89 = arith.constant 0xFF800000 : f32
      %broadcast_in_dim3A_90 = vector.broadcast %jit3A_89 : f32 to vector<1x12544xf32>
      %select_n3A_91 = arith.select %eq3A_88, %add3A, %broadcast_in_dim3A_90 : vector<1x12544xi1>, vector<1x12544xf32>
      %reduce_max3A_92 = vector.shape_cast %select_n3A_91 : vector<1x12544xf32> to vector<1x1x12544xf32>
      %reduce_max3A_93 = arith.constant dense<0xFF800000> : vector<1xf32>
      %reduce_max3A_94 = vector.multi_reduction <maximumf>, %reduce_max3A_92, %reduce_max3A_93 [1, 2] : vector<1x1x12544xf32> to vector<1xf32>
      %reduce_max3A_95 = vector.shape_cast %reduce_max3A_94 : vector<1xf32> to vector<1x1x1xf32>
      %reduce_max3A_96 = vector.extract %reduce_max3A_95[0, 0, 0] : f32 from vector<1x1x1xf32>
      %swap3A_97 = arith.constant 1 : index
      %swap3A_98 = memref.load %arg11[%swap3A_97] : memref<4xf32, #tpu.memory_space<smem>>
      memref.store %reduce_max3A_96, %arg11[%swap3A_97] : memref<4xf32, #tpu.memory_space<smem>>
      %mul3A_99 = arith.constant 12544 : i32
      %mul3A_100 = arith.muli %arg0, %mul3A_99 : i32
      %add3A_101 = arith.addi %mul3A_100, %reduce_min3A_81 : i32
      %swap3A_102 = arith.constant 0 : index
      %swap3A_103 = memref.load %arg12[%swap3A_102] : memref<1xi32, #tpu.memory_space<smem>>
      memref.store %add3A_101, %arg12[%swap3A_102] : memref<1xi32, #tpu.memory_space<smem>>
    } else {
    }
    %eq3A_68 = arith.constant 7 : i32
    %eq3A_69 = arith.cmpi eq, %arg0, %eq3A_68 : i32
    %convert_element_type3A_70 = arith.extui %eq3A_69 : i1 to i32
    %cond3A_71 = arith.constant 0 : i32
    %cond3A_72 = arith.cmpi ne, %convert_element_type3A_70, %cond3A_71 : i32
    scf.if %cond3A_72 {
      %get3A_73 = arith.constant 0 : index
      %get3A_74 = memref.load %arg12[%get3A_73] : memref<1xi32, #tpu.memory_space<smem>>
      %swap3A_75 = arith.constant 0 : index
      %swap3A_76 = memref.load %arg9[%swap3A_75] : memref<1xi32, #tpu.memory_space<smem>>
      memref.store %get3A_74, %arg9[%swap3A_75] : memref<1xi32, #tpu.memory_space<smem>>
      %get3A_77 = arith.constant 1 : index
      %get3A_78 = memref.load %arg11[%get3A_77] : memref<4xf32, #tpu.memory_space<smem>>
      %get3A_79 = arith.constant 2 : index
      %get3A_80 = memref.load %arg11[%get3A_79] : memref<4xf32, #tpu.memory_space<smem>>
      %get3A_81 = arith.constant 3 : index
      %get3A_82 = memref.load %arg11[%get3A_81] : memref<4xf32, #tpu.memory_space<smem>>
      %log3A = math.log %get3A_82 : f32
      %add3A_83 = arith.addf %get3A_80, %log3A : f32
      %sub3A_84 = arith.subf %get3A_78, %add3A_83 : f32
      %swap3A_85 = arith.constant 0 : index
      %swap3A_86 = memref.load %arg10[%swap3A_85] : memref<1xf32, #tpu.memory_space<smem>>
      memref.store %sub3A_84, %arg10[%swap3A_85] : memref<1xf32, #tpu.memory_space<smem>>
    } else {
    }
    return
  }
  func.func @transform_0(%arg0: i32) -> (i32, i32) {
    %c0_i32 = arith.constant 0 : i32
    %c0_i32_0 = arith.constant 0 : i32
    %c0_i32_1 = arith.constant 0 : i32
    return %c0_i32, %c0_i32_0 : i32, i32
  }
  func.func @transform_1(%arg0: i32) -> (i32, i32) {
    %c0_i32 = arith.constant 0 : i32
    %c0_i32_0 = arith.constant 0 : i32
    %c0_i32_1 = arith.constant 0 : i32
    return %c0_i32, %c0_i32_0 : i32, i32
  }
  func.func @transform_2(%arg0: i32) -> (i32, i32) {
    %mul3A = arith.constant 4 : i32
    %mul3A_0 = arith.muli %mul3A, %arg0 : i32
    %c0_i32 = arith.constant 0 : i32
    %c0_i32_1 = arith.constant 0 : i32
    return %mul3A_0, %c0_i32 : i32, i32
  }
  func.func @transform_3(%arg0: i32) -> (i32, i32) {
    %mul3A = arith.constant 4 : i32
    %mul3A_0 = arith.muli %mul3A, %arg0 : i32
    %add3A = arith.constant 1 : i32
    %add3A_1 = arith.addi %mul3A_0, %add3A : i32
    %c0_i32 = arith.constant 0 : i32
    %c0_i32_2 = arith.constant 0 : i32
    return %add3A_1, %c0_i32 : i32, i32
  }
  func.func @transform_4(%arg0: i32) -> (i32, i32) {
    %mul3A = arith.constant 4 : i32
    %mul3A_0 = arith.muli %mul3A, %arg0 : i32
    %add3A = arith.constant 2 : i32
    %add3A_1 = arith.addi %mul3A_0, %add3A : i32
    %c0_i32 = arith.constant 0 : i32
    %c0_i32_2 = arith.constant 0 : i32
    return %add3A_1, %c0_i32 : i32, i32
  }
  func.func @transform_5(%arg0: i32) -> (i32, i32) {
    %mul3A = arith.constant 4 : i32
    %mul3A_0 = arith.muli %mul3A, %arg0 : i32
    %add3A = arith.constant 3 : i32
    %add3A_1 = arith.addi %mul3A_0, %add3A : i32
    %c0_i32 = arith.constant 0 : i32
    %c0_i32_2 = arith.constant 0 : i32
    return %add3A_1, %c0_i32 : i32, i32
  }
  func.func @transform_6(%arg0: i32) -> (i32, i32) {
    %c0_i32 = arith.constant 0 : i32
    %c0_i32_0 = arith.constant 0 : i32
    return %c0_i32, %arg0 : i32, i32
  }
  func.func @transform_7(%arg0: i32) -> (i32, i32) {
    %c0_i32 = arith.constant 0 : i32
    %c0_i32_0 = arith.constant 0 : i32
    return %c0_i32, %arg0 : i32, i32
  }
  func.func @transform_8(%arg0: i32) -> i32 {
    %c0_i32 = arith.constant 0 : i32
    %c0_i32_0 = arith.constant 0 : i32
    return %c0_i32 : i32
  }
  func.func @transform_9(%arg0: i32) -> i32 {
    %c0_i32 = arith.constant 0 : i32
    %c0_i32_0 = arith.constant 0 : i32
    return %c0_i32 : i32
  }
}

</mosaic_0001>

<sc_bundles>
// kernel: kernel.6.cloned.1.call-start
scs
__scs_entry_jumppad:
0x0: {  	(pc) =	sbr.rel $0x88, $3  }
0x1: {  	(tag) =	ssettag $0x0;
	lr =	simm.s32 $0x1  }
0x2: {  	[smem:$0x3F97] =	sst lr;
	_ =	strace $0xD0000000  }
0x3: {  	_ = 	snop  }
0x4: {  	_ = 	snop  }
0x5: {  	_ = 	snop  }
0x6: {  	_ = 	snop  }
0x7: {  	_ = 	snop  }
__scs_overlays_trampoline_lowered:
0x8: {  	[smem:$0x3FA6] =	sst s0  }
0x9: {  	[smem:$0x3FA7] =	sst s1  }
0xa: {  	[smem:$0x3FA8] =	sst s2  }
0xb: {  	[smem:$0x3FA9] =	sst s3  }
0xc: {  	[smem:$0x3FAA] =	sst s4  }
0xd: {  	[smem:$0x3FAB] =	sst s5  }
0xe: {  	[smem:$0x3FAC] =	sst s6  }
0xf: {  	[smem:$0x3FAD] =	sst s7  }
0x10: {  	[smem:$0x3FAE] =	sst s8  }
0x11: {  	[smem:$0x3FAF] =	sst s9;
	s0 =	simm.s32 @!p0 $0x0  }
0x12: {  	s1 =	sld [smem:$0x3F95];
	s0 =	simm.s32 @p0 $0x1  }
0x13: {  	[smem:$0x3FB0] =	sst s0;
	s0 =	simm.s32 @!p1 $0x0  }
0x14: {  	s2 =	sld [smem:$0x3F94];
	s0 =	simm.s32 @p1 $0x1  }
0x15: {  	[smem:$0x3FB1] =	sst s0;
	s0 =	simm.s32 @!p2 $0x0  }
0x16: {  	s3 =	sld [smem:$0x3FDB];
	s0 =	simm.s32 @p2 $0x1  }
0x17: {  	s4 =	simm.s32 $0x1BF5;
	[smem:$0x3FB3] =	sst s0  }
0x18: {  	s0 =	sld [smem:$0x3F96];
	_ =	swait.ge [sflag:s4], $0x0  }
0x19: {  	s7 =	sld [smem:$0x3F97]  }
0x1a: {  	s8 =	sadd.s32 $0xFFFFE003, lr  }
0x1b: {  	s9 =	sadd.s32 $0xFFFFFEF7, lr;
	s5 =	simm.s32 $0xFFFFFFFF;
	p2 =	slt.u32 s8, $0xFFFFF086  }
0x1c: {  	p1 =	slt.u32 s9, $0xF7A;
	s5 =	simm.s32 @!p2 $0x0  }
0x1d: {  	s5 =	simm.s32 @p1 $0x1;
	p0 =	seq.s32 s7, s2  }
0x1e: {  	s7 =	smul.u32 @!p0 $0xF7A, s2;
	p2 =	seq.s32 @!p0 s5, $0x0  }
0x1f: {  	s9 =	smul.u32 $0xF7A, s1;
	s8 =	simm.s32 @!p0 $0x1BF5;
	p2 =	por !p2, p0  }
0x20: {  	[sflag:s8] =	ssyncset.s32 @!p0 $0xFFFFF086;
	s6 =	sadd.s32 @!p0 s3, s7;
	s7 =	simm.s32 @!p0 $0x108  }
0x21: {  	s3 =	sadd.s32 s3, s9;
	s6 =	sadd.s32 @!p0 $0x88, s6;
	s7 =	simm.s32 @p2 $0x1082  }
0x22: {  	[simem:s7], [sflag:s8] =	dma.local @!p0 [hbm:s6], $0xF7A  }
0x23: {  	s9 =	sor.u32 $0xD0000000, s2;
	s6 =	simm.s32 $0x108;
	_ =	swait.ge @!p0 [sflag:s8], $0x0  }
0x24: {  	s3 =	sadd.s32 $0x88, s3;
	s6 =	simm.s32 @!p1 $0x1082;
	[sflag:s4] =	ssyncset.s32 $0xFFFFF086  }
0x25: {  	[simem:s6], [sflag:s4] =	dma.local [hbm:s3], $0xF7A  }
0x26: {  	[smem:$0x3F97] =	sst s1;
	(tag) =	ssettag s2;
	_ =	strace s9  }
0x27: {  	s1 =	sld [smem:$0x3FA7]  }
0x28: {  	s2 =	sld [smem:$0x3FA8]  }
0x29: {  	s4 =	sld [smem:$0x3FAA]  }
0x2a: {  	p0 =	seq.s32 s5, $0x0;
	s5 =	sld [smem:$0x3FAB]  }
0x2b: {  	s6 =	sld [smem:$0x3FAC]  }
0x2c: {  	s7 =	sld [smem:$0x3FAD]  }
0x2d: {  	s3 =	simm.s32 $0x108;
	s8 =	sld [smem:$0x3FAE]  }
0x2e: {  	s3 =	simm.s32 @!p0 $0x1082;
	s9 =	sld [smem:$0x3FAF]  }
0x2f: {  	lr =	sadd.s32 s0, s3;
	s0 =	sld [smem:$0x3FA6]  }
0x30: {  	s3 =	sld [smem:$0x3FA9]  }
0x31: {  	[smem:$0x3FB2] =	sst s10  }
0x32: {  	s10 =	sld [smem:$0x3FB0];
	_ =	sdelay $0x3  }
0x33: {  	p0 =	seq.s32 s10, $0x1;
	s10 =	sld [smem:$0x3FB2];
	_ =	sdelay $0x3  }
0x34: {  	[smem:$0x3FB2] =	sst s10  }
0x35: {  	s10 =	sld [smem:$0x3FB1];
	_ =	sdelay $0x3  }
0x36: {  	p1 =	seq.s32 s10, $0x1;
	s10 =	sld [smem:$0x3FB2];
	_ =	sdelay $0x3  }
0x37: {  	[smem:$0x3FB2] =	sst s10  }
0x38: {  	s10 =	sld [smem:$0x3FB3]  }
0x39: {  	_ = 	snop;
	(pc) =	sbr.ind lr, $3  }
0x3a: {  	_ = 	snop  }
0x3b: {  	_ = 	snop  }
0x3c: {  	p2 =	seq.s32 s10, $0x1;
	s10 =	sld [smem:$0x3FB2]  }
0x3d: {  	_ =	shalt  }
0x3e: {  	_ =	shalt  }
0x3f: {  	_ =	shalt  }
0x40: {  	_ =	shalt  }
0x41: {  	_ =	shalt  }
0x42: {  	_ =	shalt  }
0x43: {  	_ =	shalt  }
0x44: {  	_ =	shalt  }
0x45: {  	_ =	shalt  }
0x46: {  	_ =	shalt  }
0x47: {  	_ =	shalt  }
0x48: {  	_ =	shalt  }
0x49: {  	_ =	shalt  }
0x4a: {  	_ =	shalt  }
0x4b: {  	_ =	shalt  }
0x4c: {  	_ =	shalt  }
0x4d: {  	_ =	shalt  }
0x4e: {  	_ =	shalt  }
0x4f: {  	_ =	shalt  }
0x50: {  	_ =	shalt  }
0x51: {  	_ =	shalt  }
0x52: {  	_ =	shalt  }
0x53: {  	_ =	shalt  }
0x54: {  	_ =	shalt  }
0x55: {  	_ =	shalt  }
0x56: {  	_ =	shalt  }
0x57: {  	_ =	shalt  }
0x58: {  	_ =	shalt  }
0x59: {  	_ =	shalt  }
0x5a: {  	_ =	shalt  }
0x5b: {  	_ =	shalt  }
0x5c: {  	_ =	shalt  }
0x5d: {  	_ =	shalt  }
0x5e: {  	_ =	shalt  }
0x5f: {  	_ =	shalt  }
0x60: {  	_ =	shalt  }
0x61: {  	_ =	shalt  }
0x62: {  	_ =	shalt  }
0x63: {  	_ =	shalt  }
0x64: {  	_ =	shalt  }
0x65: {  	_ =	shalt  }
0x66: {  	_ =	shalt  }
0x67: {  	_ =	shalt  }
0x68: {  	_ =	shalt  }
0x69: {  	_ =	shalt  }
0x6a: {  	_ =	shalt  }
0x6b: {  	_ =	shalt  }
0x6c: {  	_ =	shalt  }
0x6d: {  	_ =	shalt  }
0x6e: {  	_ =	shalt  }
0x6f: {  	_ =	shalt  }
0x70: {  	_ =	shalt  }
0x71: {  	_ =	shalt  }
0x72: {  	_ =	shalt  }
0x73: {  	_ =	shalt  }
0x74: {  	_ =	shalt  }
0x75: {  	_ =	shalt  }
0x76: {  	_ =	shalt  }
0x77: {  	_ =	shalt  }
0x78: {  	_ =	shalt  }
0x79: {  	_ =	shalt  }
0x7a: {  	_ =	shalt  }
0x7b: {  	_ =	shalt  }
0x7c: {  	_ =	shalt  }
0x7d: {  	_ =	shalt  }
0x7e: {  	_ =	shalt  }
0x7f: {  	_ =	shalt  }
0x80: {  	_ =	shalt  }
0x81: {  	_ =	shalt  }
0x82: {  	_ =	shalt  }
0x83: {  	_ =	shalt  }
0x84: {  	_ =	shalt  }
0x85: {  	_ =	shalt  }
0x86: {  	_ =	shalt  }
0x87: {  	_ =	shalt  }
.Lfunc_end0:
.L_simem_size_0:
called_computation_lowered:
.L_overlay_start_0:
0x88: {  	s2 =	sld [smem:$0x3FD9]  }
0x89: {  	s3 =	sld [smem:$0x3FFE];
	_ =	sdelay $0x1  }
0x8a: {  	s1 =	srdreg.scid  }
0x8b: {  	s0 =	sand.u32 $0x1, s1  }
0x8c: {  	s14 =	sshll.u32 s0, $0xA;
	s2 =	sadd.s32 s3, s2  }
0x8d: {  	s2 =	sadd.s32 s2, s14  }
0x8e: {  	[smem:$0x3FBE] =	sst s2  }
0x8f: {  	_ = 	snop  }
0x90: {  	s2 =	sld [smem:$0x3FD0];
	_ =	sdelay $0x2  }
0x91: {  	s15 =	simm.s32 $0xA;
	s4 =	simm.s32 $0x10  }
0x92: {  	[smem:s4], [sflag:s15] =	dma.local [hbm:s2], $0x1  }
0x93: {  	_ =	swait.eq [sflag:s15], $0x1  }
0x94: {  	[sflag:s15] =	ssyncset.done $0x0  }
0x95: {  	[sflag:s15] =	ssyncadd.s32 $0xFFFFFFFF  }
0x96: {  	s16 =	sld [smem:$0x10];
	(tm) =	ssettm $0x1  }
0x97: {  	s17 =	sld [smem:$0x3FFB];
	_ =	sdelay $0x3  }
0x98: {  	_ =	strace s17  }
0x99: {  	s3 =	sld [smem:$0x3FFC];
	_ =	sdelay $0x3  }
0x9a: {  	_ =	strace s3  }
0x9b: {  	s3 =	sld [smem:$0x3FFD];
	_ =	sdelay $0x3  }
0x9c: {  	_ =	strace s3  }
0x9d: {  	_ =	strace $0x8FFFFFFF  }
0x9e: {  	s18 =	sld [smem:$0x3FDB];
	_ =	sdelay $0x1  }
0x9f: {  	s19 =	simm.s32 $_scs_section_size  }
0xa0: {  	s5 =	simm.s32 $_size__tile_overlayer_lowered;
	s6 =	simm.s32 $_tile_overlayer_lowered  }
0xa1: {  	s22 =	simm.s32 $0x1BFF;
	s21 =	sshll.u32 s6, $0x1;
	s3 =	sadd.s32 s19, s18  }
0xa2: {  	s7 =	simm.s32 $0x0;
	s20 =	sshll.u32 s5, $0x1;
	s5 =	sadd.s32 s21, s3  }
0xa3: {  	[timem:s7], [sflag:s22] =	dma.local [hbm:s5], s20  }
0xa4: {  	_ =	swait.ge [sflag:s22], s20  }
0xa5: {  	s4 =	ssub.s32 $0x0, s20;
	[sflag:s22] =	ssyncset.done $0x0  }
0xa6: {  	[sflag:s22] =	ssyncadd.s32 s4;
	_ =	sdelay $0x1  }
0xa7: {  	s23 =	simm.s32 $0x1B8B  }
0xa8: {  	_ =	swait.ge [sflag:s23], $0x1  }
0xa9: {  	[sflag:s23] =	ssyncset.done $0x0  }
0xaa: {  	s25 =	simm.s32 $0x1B8E;
	s24 =	sld [smem:$0x3FFE];
	[sflag:s23] =	ssyncadd.s32 $0xFFFFFFFF  }
0xab: {  	s26 =	simm.s32 $execute0_lowered;
	[smem:$0x3FD2] =	sst s25  }
0xac: {  	s5 =	sshll.u32 s26, $0x1;
	_ =	strace $0x80000046;
	[dreg:$0x1] =	wrdreg $0xFFFFFFFF  }
0xad: {  	s28 =	simm.s32 $_size_execute0_lowered;
	s3 =	sadd.s32 s3, s5;
	[dreg:$0x0] =	wrdreg $0x0  }
0xae: {  	s5 =	sshll.u32 s28, $0x1;
	[dreg:$0x2] =	wrdreg s3  }
0xaf: {  	[dreg:$0x3] =	wrdreg s5  }
0xb0: {  	[dreg:$0x4] =	wrdreg $0xC0  }
0xb1: {  	_ =	task [dreg:s7], $0x5FFFF  }
0xb2: {  	[dreg:$0x1] =	wrdreg $0xFFFFFFFF  }
0xb3: {  	[dreg:$0x0] =	wrdreg $0x60  }
0xb4: {  	[dreg:$0x2] =	wrdreg s24  }
0xb5: {  	[dreg:$0x3] =	wrdreg s16  }
0xb6: {  	[dreg:$0x4] =	wrdreg $0x9  }
0xb7: {  	_ =	task.clear_ibuf [dreg:s7], $0x5FFFF;
	_ =	strace $0x90000046  }
0xb8: {  	s29 =	simm.s32 $0x9;
	_ =	strace $0x80000048  }
0xb9: {  	_ =	swait.ge [sflag:s29], $0x1  }
0xba: {  	[sflag:s29] =	ssyncadd.s32 $0xFFFFFFFF  }
0xbb: {  	_ =	strace $0x90000048  }
0xbc: {  	_ =	sfence  }
0xbd: {  	s30 =	sld [smem:$0x0];
	_ =	sdelay $0x2  }
0xbe: {  	s31 =	sshll.u32 s1, $0xD;
	s1 =	sshrl.u32 s1, $0x2  }
0xbf: {  	s3 =	sand.u32 $0x4000, s31;
	s1 =	sadd.s32 s1, s30  }
0xc0: {  	s0 =	sor.u32 s3, s0;
	s1 =	sshll.u32 s1, $0x11  }
0xc1: {  	s0 =	sor.u32 s1, s0  }
0xc2: {  	s0 =	sadd.s32 $0x8F2B, s0  }
0xc3: {  	[sflag:s0] =	ssyncadd.remote.s32 $0x1  }
0xc4: {  	_ =	sfence.sel $0xFFFF  }
0xc5: {  	[dreg:$0x0] =	wrdreg $0xFFFFFFFF;
	(pc) =	sbr.abs _section_cstart, $3  }
0xc6: {  	[dreg:$0x1] =	wrdreg $0xFFFFFFFF  }
0xc7: {  	_ =	task.clear_ibuf [dreg:s7], $0x2FFFF;
	_ =	strace $0x9FFFFFFF  }
0xc8: {  	(tm) =	ssettm $0x7FFFFFFF  }
0xc9: {  	_ =	shalt  }
tec
execute0_lowered:
.L_overlay_start_1:
0x0: {  	(tag) =	ssettag $0x1  }
0x1: {  	s0 =	srdreg.scid  }
0x2: {  	s4 =	sand.u32 $0x1, s0;
	s0 =	stileid.u32  }
0x3: {  	s5 =	sshll.u32 s0, $0x1;
	s6 =	ssub.s32 $0x0, s4  }
0x4: {  	p0 =	sne.s32 s5, s6  }
.Ltmp0:
0x5: {  	_ = 	snop;
	(pc) =	sbr.rel @p0 .LBB2_5-.Ltmp0, $4  }
0x6: {  	_ = 	snop  }
0x7: {  	s3 =	rddreg [dreg:$0x0]  }
0x8: {  	s2 =	rddreg [dreg:$0x1]  }
0x9: {  	s1 =	rddreg [dreg:$0x2];
	_ =	strace $0x80000047  }
0xa: {  	v0 =	vimm.s32 $0xFEDCBA98;
	v1 =	vimm.s32 $0x76543210  }
0xb: {  	v2 =	vimm.s32 $0x3210FEDC;
	v3 =	vimm.s32 $0xBA987654;
	v4 =	vimm.s32 $0x10FEDCBA  }
0xc: {  	v5 =	vimm.s32 $0x98765432;
	v6 =	vimm.s32 $0xFEDCBA9;
	v7 =	vimm.s32 $0x87654321  }
0xd: {  	v0 =	vunpack.c.l.s4.s8 v0;
	v1 =	vunpack.c.l.s4.s8 v1;
	v2 =	vunpack.c.l.s4.s8 v2  }
0xe: {  	v3 =	vunpack.c.l.s4.s8 v3;
	v4 =	vunpack.c.l.s4.s8 v4;
	v5 =	vunpack.c.l.s4.s8 v5  }
0xf: {  	v6 =	vunpack.c.l.s4.s8 v6;
	v7 =	vunpack.c.l.s4.s8 v7;
	v0 =	vunpack.c.0.s8.s32 v0  }
0x10: {  	v2 =	vunpack.c.0.s8.s32 v2;
	v3 =	vunpack.c.0.s8.s32 v3;
	v4 =	vunpack.c.0.s8.s32 v4  }
0x11: {  	v5 =	vunpack.c.0.s8.s32 v5;
	v6 =	vunpack.c.0.s8.s32 v6;
	v7 =	vunpack.c.0.s8.s32 v7  }
0x12: {  	s4 =	ssub.s32 $0x2, s4;
	s3 =	sadd.s32 $0x1E00, s3;
	v1 =	vunpack.c.0.s8.s32 v1;
	v2 =	vcombine.low v3, v2  }
0x13: {  	s6 =	simm.s32 $0x1;
	s7 =	simm.s32 $0x2800;
	s5 =	sshrl.u32 s4, $0x1;
	v3 =	vcombine.low v5, v4;
	v4 =	vand.u32 $0xF, v0;
	v5 =	vcombine.low v7, v6  }
0x14: {  	s8 =	simm.s32 $0x2880;
	s9 =	simm.s32 $0x2780;
	s4 =	ssub.s32 s4, s5;
	v0 =	vlaneseq.u32;
	v1 =	vcombine.low v4, v1  }
0x15: {  	s10 =	simm.s32 $0x0;
	s5 =	simm.s32 $0x0;
	s4 =	smax.u32 s4, $0x1;
	v2 =	vand.u32 $0xF, v2;
	v3 =	vand.u32 $0xF, v3;
	v4 =	vand.u32 $0xF, v5  }
.LBB2_2:
0x16: {  	[tilespmem:s5], [sflag:$0x1] =	stream.linear.gather [hbm4b:s3+s5], $0x2780, $0x38;
	[tilespmem:$0x2900] =	vst v63  }
0x17: {  	_ =	swait.ge [sflag:s6], $0x2780  }
0x18: {  	[sflag:s6] =	ssyncset.done $0x0  }
0x19: {  	[sflag:s6] =	ssyncadd.s32 $0xFFFFD880  }
0x1a: {  	v5 =	vld [tilespmem:s5+$0x0];
	_ =	sdelay $0x3  }
0x1b: {  	v6 =	vimm.f32 $-Inf  }
0x1c: {  	v7 =	vimm.s32 $0x0;
	s11 =	simm.s32 $0x10;
	v8 =	vor.u32 s5, v0;
	s12 =	simm.s32 $0x10;
	vm0 =	vgt.f32 v5, v6  }
.LBB2_3:
0x1d: {  	p0 =	sne.s32 s11, $0x2700;
	v6 =	vsel vm0, v5, v6;
	v5 =	vld [tilespmem:s12+$0x0];
	v7 =	vsel vm0, v8, v7;
	s13 =	smov.u32 s11;
	s11 =	sadd.s32 $0x10, s11  }
.Ltmp1:
0x1e: {  	(pc) =	sbr.rel @p0 .LBB2_3-.Ltmp1, $2  }
0x1f: {  	_ =	sdelay $0x2  }
0x20: {  	s12 =	sadd.s32 $0x10, s12;
	v8 =	vor.u32 s13, v0;
	vm0 =	vgt.f32 v5, v6  }
0x21: {  	_ = 	snop  }
0x22: {  	v5 =	vsel vm0, v5, v6  }
0x23: {  	v6 =	vsel vm0, v8, v7;
	[tilespmem:$0x2800] =	vst v5  }
0x24: {  	[tilespmem:$0x2880] =	vst v6  }
0x25: {  	v7 =	vld.idx.msk [tilespmem:v1+s7+$0x0], $0xffff  }
0x26: {  	v60 =	vld.idx.msk [tilespmem:v1+s8+$0x0], $0xffff;
	_ =	sdelay $0x4  }
0x27: {  	vm6 =	veq.f32 v7, v5;
	vm1 =	vlt.s32 v60, v6  }
0x28: {  	vm2 =	vgt.f32 v7, v5;
	vm0 =	vmand vm6, vm1  }
0x29: {  	vm0 =	vmor vm2, vm0  }
0x2a: {  	v5 =	vsel vm0, v7, v5  }
0x2b: {  	v6 =	vsel vm0, v60, v6;
	[tilespmem:$0x2800] =	vst v5  }
0x2c: {  	[tilespmem:$0x2880] =	vst v6  }
0x2d: {  	v7 =	vld.idx.msk [tilespmem:v2+s7+$0x0], $0xffff  }
0x2e: {  	v61 =	vld.idx.msk [tilespmem:v2+s8+$0x0], $0xffff;
	_ =	sdelay $0x4  }
0x2f: {  	vm7 =	veq.f32 v7, v5;
	vm8 =	vlt.s32 v61, v6  }
0x30: {  	vm9 =	vgt.f32 v7, v5;
	vm0 =	vmand vm7, vm8  }
0x31: {  	vm0 =	vmor vm9, vm0  }
0x32: {  	v5 =	vsel vm0, v7, v5  }
0x33: {  	v6 =	vsel vm0, v61, v6;
	[tilespmem:$0x2800] =	vst v5  }
0x34: {  	[tilespmem:$0x2880] =	vst v6  }
0x35: {  	v7 =	vld.idx.msk [tilespmem:v3+s7+$0x0], $0xffff  }
0x36: {  	v62 =	vld.idx.msk [tilespmem:v3+s8+$0x0], $0xffff;
	_ =	sdelay $0x4  }
0x37: {  	vm10 =	veq.f32 v7, v5;
	vm11 =	vlt.s32 v62, v6  }
0x38: {  	vm12 =	vgt.f32 v7, v5;
	vm0 =	vmand vm10, vm11  }
0x39: {  	vm0 =	vmor vm12, vm0  }
0x3a: {  	v5 =	vsel vm0, v7, v5  }
0x3b: {  	v6 =	vsel vm0, v62, v6;
	[tilespmem:$0x2800] =	vst v5  }
0x3c: {  	[tilespmem:$0x2880] =	vst v6  }
0x3d: {  	v7 =	vld.idx.msk [tilespmem:v4+s7+$0x0], $0xffff  }
0x3e: {  	v63 =	vld.idx.msk [tilespmem:v4+s8+$0x0], $0xffff;
	_ =	sdelay $0x4  }
0x3f: {  	vm13 =	veq.f32 v7, v5;
	vm14 =	vlt.s32 v63, v6  }
0x40: {  	vm15 =	vgt.f32 v7, v5;
	vm0 =	vmand vm13, vm14  }
0x41: {  	s10 =	sadd.s32 $0x1, s10;
	vm0 =	vmor vm15, vm0  }
0x42: {  	p0 =	sne.s32 s10, s4;
	v5 =	vsel vm0, v63, v6  }
.Ltmp2:
0x43: {  	[tilespmem:$0x2780] =	vst v5;
	(pc) =	sbr.rel @p0 .LBB2_2-.Ltmp2, $4  }
0x44: {  	[hbm4b:s2+s5] =	stream.linear.scatter [tilespmem:s9], [sflag:$0x1], $0x80, $0x38;
	[tilespmem:$0x2900] =	vst v63  }
0x45: {  	_ =	swait.ge [sflag:s6], $0x80  }
0x46: {  	[sflag:s6] =	ssyncset.done $0x0  }
0x47: {  	[sflag:s6] =	ssyncadd.s32 $0xFFFFFF80  }
.LBB2_5:
0x48: {  	_ =	sfence.sel $0x180000  }
0x49: {  	[bflag:$0x0] =	sbarrier.arrive $0xFFFF  }
0x4a: {  	p0 =	sne.s32 s0, $0x0;
	_ =	strace $0x90000047  }
0x4b: {  	s0 =	sadd.s32 @!p0 $0x100000, s1;
	[bflag:$0x2] =	sbarrier.arrive $0xFFFF  }
0x4c: {  	[sflag:s0] =	ssyncadd.tile.s32 @!p0 $0x1;
	_ =	shalt  }
.Lfunc_end2:
_tile_overlayer_lowered:
.L_overlay_start_2:
0x4d: {  	(tag) =	ssettag $0x2  }
0x4e: {  	s0 =	rddreg [dreg:$0x0];
	s2 =	stileid.u32  }
0x4f: {  	s1 =	rddreg [dreg:$0x1];
	p0 =	sne.s32 s2, $0x0  }
0x50: {  	s3 =	rddreg [dreg:$0x2];
	[bflag:$0x3] =	sbarrier.arrive $0xFFFF;
	s2 =	simm.s32 @!p0 $0x1C01  }
0x51: {  	[timem:s3], [sflag:s2] =	dma.local @!p0 [hbm:s0], s1  }
0x52: {  	s0 =	simm.s32 @!p0 $0x1  }
0x53: {  	_ =	swait.ge @!p0 [sflag:s0], s1  }
0x54: {  	s1 =	ssub.s32 @!p0 $0x0, s1;
	[sflag:s0] =	ssyncset.done @!p0 $0x0  }
0x55: {  	[sflag:s0] =	ssyncadd.s32 @!p0 s1  }
0x56: {  	[bflag:$0x3] =	sbarrier.arrive $0xFFFF  }
0x57: {  	_ =	shalt  }

</sc_bundles>
